<compile_context>
chip_gen: v7x
topology: tpu7x:2x2x1
jax: 0.10.2.dev20260603
libtpu: 0.0.44.dev20260713+nightly
codegen_flags: <defaults>
</compile_context>

<pallas_src>
import functools
import math

import jax
import jax.numpy as jnp
from jax import lax
from jax.experimental import pallas as pl
from jax.experimental.pallas import tpu as pltpu
from jax.experimental.pallas import tpu_sc as plsc

_NUM_BUCKETS = 32
_MAX_DISTANCE = 128
_N_HEADS = 16
_QLEN = 2048
_KLEN = 2048
_TEXT = 4224
_SROWS = 128
_SWIDTH = 4096


def _table_body(delta_ref, w_ref, out_ref, t_ref, x_ref):
    h = pl.program_id(0)

    @pl.when(h == 0)
    def _compute_t_ext():
        m = lax.broadcasted_iota(jnp.int32, (1, _TEXT), 1)
        rel = m - (_QLEN - 1) + delta_ref[0, 0]
        n = -rel
        half = _NUM_BUCKETS // 2
        ret = jnp.where(n < 0, half, 0).astype(jnp.int32)
        n = jnp.abs(n)
        max_exact = half // 2
        is_small = n < max_exact
        nf = n.astype(jnp.float32)
        val_if_large = max_exact + (
            jnp.log(nf / max_exact)
            / math.log(_MAX_DISTANCE / max_exact)
            * (half - max_exact)
        ).astype(jnp.int32)
        val_if_large = jnp.minimum(val_if_large, half - 1)
        bucket = ret + jnp.where(is_small, n, val_if_large)
        onehot = jnp.equal(
            lax.broadcasted_iota(jnp.int32, (_NUM_BUCKETS, _TEXT), 0), bucket
        ).astype(jnp.float32)
        t_ref[...] = lax.dot_general(
            w_ref[...], onehot, (((0,), (0,)), ((), ())),
            preferred_element_type=jnp.float32,
            precision=lax.Precision.HIGHEST,
        )

    for u in range(8):
        x_ref[u:u + 1, 0:4216] = t_ref[pl.ds(h, 1), 7 - u:7 - u + 4216]
    for p in range(16):
        out_ref[0, 8 * p:8 * p + 8, :] = x_ref[:, 120 - 8 * p:120 - 8 * p + _SWIDTH]


def _make_shift_table(weight, delta):
    return pl.pallas_call(
        _table_body,
        grid=(_N_HEADS,),
        out_shape=jax.ShapeDtypeStruct((_N_HEADS, _SROWS, _SWIDTH), jnp.float32),
        in_specs=[
            pl.BlockSpec(memory_space=pltpu.SMEM),
            pl.BlockSpec(memory_space=pltpu.VMEM),
        ],
        out_specs=pl.BlockSpec((1, _SROWS, _SWIDTH), lambda h: (h, 0, 0)),
        scratch_shapes=[
            pltpu.VMEM((_N_HEADS, _TEXT), jnp.float32),
            pltpu.VMEM((8, _TEXT), jnp.float32),
        ],
    )(delta, weight)


_HEADS_PER_CORE = _N_HEADS // 2


def _writer_body(s_hbm, out_hbm, tv, sem_fire, sem_stage):
    c = lax.axis_index("c")
    s = lax.axis_index("s")
    row8 = pl.multiple_of(8 * s, 8)

    def start_stage(k, buf):
        pltpu.make_async_copy(
            s_hbm.at[c * _HEADS_PER_CORE + k, pl.ds(row8, 8), :],
            tv.at[buf], sem_stage,
        ).start()

    def wait_stage():
        pltpu.make_async_copy(
            s_hbm.at[0, pl.ds(0, 8), :], tv.at[0], sem_stage
        ).wait()

    def drain_fires():
        def body(t, carry):
            pltpu.make_async_copy(
                tv.at[0, :, pl.ds(0, _KLEN)],
                out_hbm.at[0, 0, pl.ds(0, 8), :],
                sem_fire,
            ).wait()
            return carry

        lax.fori_loop(0, 16, body, 0)

    def fire_head(k):
        h = c * _HEADS_PER_CORE + k
        buf = jnp.remainder(k, 2)

        def body(t, carry):
            q = pl.multiple_of(128 * (15 - t), 128)
            pltpu.make_async_copy(
                tv.at[buf, :, pl.ds(q, _KLEN)],
                out_hbm.at[0, h, pl.ds(pl.multiple_of(128 * t + row8, 8), 8), :],
                sem_fire,
            ).start()
            return carry

        lax.fori_loop(0, 16, body, 0)

    start_stage(0, 0)
    wait_stage()

    def head_body(k, carry):
        @pl.when(k > 0)
        def _():
            drain_fires()

        @pl.when(k + 1 < _HEADS_PER_CORE)
        def _():
            start_stage(k + 1, jnp.remainder(k + 1, 2))

        fire_head(k)

        @pl.when(k + 1 < _HEADS_PER_CORE)
        def _():
            wait_stage()

        return carry

    lax.fori_loop(0, _HEADS_PER_CORE, head_body, 0)
    drain_fires()


@functools.cache
def _writer():
    return pl.kernel(
        _writer_body,
        out_type=jax.ShapeDtypeStruct((1, _N_HEADS, _QLEN, _KLEN), jnp.float32),
        mesh=plsc.VectorSubcoreMesh(core_axis_name="c", subcore_axis_name="s"),
        scratch_types=[
            pltpu.VMEM((2, 8, _SWIDTH), jnp.float32),
            pltpu.SemaphoreType.DMA,
            pltpu.SemaphoreType.DMA,
        ],
        compiler_params=pltpu.CompilerParams(use_tc_tiling_on_sc=True),
    )


def kernel(weight, qlen, klen):
    delta = (jnp.asarray(klen, jnp.int32) - jnp.asarray(qlen, jnp.int32))
    s_table = _make_shift_table(weight, delta.reshape(1, 1))
    return _writer()(s_table)

# --- scband reference (transcript-rebuilt; emitter-appended) ---
"""Pipeline reference for scband-relative-position-bias-82240033784477 (READ-ONLY COPY).

The authoritative reference and input builder live on the scoring server;
editing this copy changes nothing except your own understanding.
"""

import math
import jax, jax.numpy as jnp
import numpy as np

NUM_BUCKETS = 32
MAX_DISTANCE = 128
N_HEADS = 16
QLEN = 2048
KLEN = 2048


def setup_inputs(seed: int = 0) -> dict:
    key = jax.random.key(seed)
    weight = jax.random.normal(key, (NUM_BUCKETS, N_HEADS), dtype=jnp.float32)
    return {"weight": weight, "qlen": 2048, "klen": 2048}


def _relative_position_bucket(relative_position, num_buckets=32, max_distance=128):
    n = -relative_position
    num_buckets = num_buckets // 2
    ret = (n < 0).astype(jnp.int32) * num_buckets
    n = jnp.abs(n)
    max_exact = num_buckets // 2
    is_small = n < max_exact
    val_if_large = max_exact + (
        jnp.log(n.astype(jnp.float32) / max_exact)
        / math.log(max_distance / max_exact)
        * (num_buckets - max_exact)
    ).astype(jnp.int32)
    val_if_large = jnp.minimum(val_if_large, jnp.full_like(val_if_large, num_buckets - 1))
    ret = ret + jnp.where(is_small, n, val_if_large)
    return ret


def reference(weight, qlen, klen):
    q_pos = jnp.arange(QLEN, dtype=jnp.int32) + (jnp.asarray(qlen, dtype=jnp.int32) - QLEN)
    k_pos = jnp.arange(KLEN, dtype=jnp.int32) + (jnp.asarray(klen, dtype=jnp.int32) - KLEN)
    relative_position = k_pos[None, :] - q_pos[:, None]
    rp_bucket = _relative_position_bucket(relative_position, NUM_BUCKETS, MAX_DISTANCE)
    values = jnp.take(weight, rp_bucket, axis=0)  # [qlen, klen, n_heads]
    values = jnp.transpose(values, (2, 0, 1))[None, ...]  # [1, n_heads, qlen, klen]
    return values

if __name__ == "__main__":
    import jax
    _d = setup_inputs()
    print(jax.jit(kernel)(*tuple(_d.values())))

</pallas_src>

<mosaic_0001>
#map = affine_map<(d0, d1) -> (0, 0, 0)>
#map1 = affine_map<(d0, d1) -> (0, 0, 0, 0)>
module attributes {stable_mosaic.version = 14 : i64} {
  func.func @_writer_body(%arg0: i32, %arg1: i32, %arg2: memref<16x128x4096xf32, #tpu.memory_space<hbm>>, %arg3: memref<1x16x2048x2048xf32, #tpu.memory_space<hbm>>, %arg4: memref<2x8x4096xf32, #tpu.memory_space<vmem>>, %arg5: memref<!tpu.dma_semaphore, #tpu.memory_space<semaphore_mem>>, %arg6: memref<!tpu.dma_semaphore, #tpu.memory_space<semaphore_mem>>) attributes {dimension_semantics = [#tpu.dimension_semantics<core_parallel>, #tpu.dimension_semantics<subcore_parallel>], iteration_bounds = array<i64: 2, 16>, scalar_prefetch = 0 : i64, scratch_operands = 3 : i64, tpu.core_type = #tpu.core_type<sc_vector_subcore>, window_params = [{transform_indices = #map}, {transform_indices = #map1}]} {
    %mul3A = arith.constant 8 : i32
    %mul3A_0 = arith.muli %mul3A, %arg1 : i32
    %multiple_of3A = tpu.assume_multiple %mul3A_0, 8 : i32
    %mul3A_1 = arith.constant 8 : i32
    %mul3A_2 = arith.muli %arg0, %mul3A_1 : i32
    %add3A = arith.constant 0 : i32
    %add3A_3 = arith.addi %mul3A_2, %add3A : i32
    %dma_start3A = arith.constant 0 : i32
    %dma_start3A_4 = arith.constant 0 : i32
    %dma_start3A_5 = arith.constant 0 : i32
    %dma_start3A_6 = tpu.memref_slice %arg4[%dma_start3A, %dma_start3A_4, %dma_start3A_5] : memref<2x8x4096xf32, #tpu.memory_space<vmem>> -> memref<1x8x4096xf32, #tpu.memory_space<vmem>>
    %dma_start3A_7 = tpu.memref_squeeze %dma_start3A_6 : memref<1x8x4096xf32, #tpu.memory_space<vmem>> -> memref<8x4096xf32, #tpu.memory_space<vmem>>
    %dma_start3A_8 = arith.constant 0 : i32
    %dma_start3A_9 = tpu.memref_slice %arg2[%add3A_3, %multiple_of3A, %dma_start3A_8] : memref<16x128x4096xf32, #tpu.memory_space<hbm>> -> memref<1x8x4096xf32, #tpu.memory_space<hbm>>
    %dma_start3A_10 = tpu.memref_squeeze %dma_start3A_9 : memref<1x8x4096xf32, #tpu.memory_space<hbm>> -> memref<8x4096xf32, #tpu.memory_space<hbm>>
    %dma_start3A_11 = arith.constant 0 : i32
    %dma_start3A_12 = arith.constant 0 : i32
    %dma_start3A_13 = tpu.memref_slice %arg4[%dma_start3A, %dma_start3A_11, %dma_start3A_12] : memref<2x8x4096xf32, #tpu.memory_space<vmem>> -> memref<1x8x4096xf32, #tpu.memory_space<vmem>>
    %dma_start3A_14 = tpu.memref_squeeze %dma_start3A_13 : memref<1x8x4096xf32, #tpu.memory_space<vmem>> -> memref<8x4096xf32, #tpu.memory_space<vmem>>
    %dma_start3A_15 = arith.constant 0 : i32
    %dma_start3A_16 = tpu.memref_slice %arg2[%add3A_3, %multiple_of3A, %dma_start3A_15] : memref<16x128x4096xf32, #tpu.memory_space<hbm>> -> memref<1x8x4096xf32, #tpu.memory_space<hbm>>
    %dma_start3A_17 = tpu.memref_squeeze %dma_start3A_16 : memref<1x8x4096xf32, #tpu.memory_space<hbm>> -> memref<8x4096xf32, #tpu.memory_space<hbm>>
    tpu.enqueue_dma source(%dma_start3A_17 : memref<8x4096xf32, #tpu.memory_space<hbm>>) target(%dma_start3A_14 : memref<8x4096xf32, #tpu.memory_space<vmem>>) target_semaphore(%arg6 : memref<!tpu.dma_semaphore, #tpu.memory_space<semaphore_mem>>)
    %dma_wait3A = arith.constant 0 : i32
    %dma_wait3A_18 = arith.constant 0 : i32
    %dma_wait3A_19 = arith.constant 0 : i32
    %dma_wait3A_20 = arith.constant 0 : i32
    %dma_wait3A_21 = tpu.memref_slice %arg4[%dma_wait3A_18, %dma_wait3A_19, %dma_wait3A_20] : memref<2x8x4096xf32, #tpu.memory_space<vmem>> -> memref<1x8x4096xf32, #tpu.memory_space<vmem>>
    %dma_wait3A_22 = tpu.memref_squeeze %dma_wait3A_21 : memref<1x8x4096xf32, #tpu.memory_space<vmem>> -> memref<8x4096xf32, #tpu.memory_space<vmem>>
    %dma_wait3A_23 = arith.constant 0 : i32
    %dma_wait3A_24 = arith.constant 0 : i32
    %dma_wait3A_25 = tpu.memref_slice %arg2[%dma_wait3A, %dma_wait3A_23, %dma_wait3A_24] : memref<16x128x4096xf32, #tpu.memory_space<hbm>> -> memref<1x8x4096xf32, #tpu.memory_space<hbm>>
    %dma_wait3A_26 = tpu.memref_squeeze %dma_wait3A_25 : memref<1x8x4096xf32, #tpu.memory_space<hbm>> -> memref<8x4096xf32, #tpu.memory_space<hbm>>
    %dma_wait3A_27 = arith.constant 0 : i32
    %dma_wait3A_28 = arith.constant 0 : i32
    %dma_wait3A_29 = tpu.memref_slice %arg4[%dma_wait3A_18, %dma_wait3A_27, %dma_wait3A_28] : memref<2x8x4096xf32, #tpu.memory_space<vmem>> -> memref<1x8x4096xf32, #tpu.memory_space<vmem>>
    %dma_wait3A_30 = tpu.memref_squeeze %dma_wait3A_29 : memref<1x8x4096xf32, #tpu.memory_space<vmem>> -> memref<8x4096xf32, #tpu.memory_space<vmem>>
    %dma_wait3A_31 = arith.constant 0 : i32
    %dma_wait3A_32 = arith.constant 0 : i32
    %dma_wait3A_33 = tpu.memref_slice %arg2[%dma_wait3A, %dma_wait3A_31, %dma_wait3A_32] : memref<16x128x4096xf32, #tpu.memory_space<hbm>> -> memref<1x8x4096xf32, #tpu.memory_space<hbm>>
    %dma_wait3A_34 = tpu.memref_squeeze %dma_wait3A_33 : memref<1x8x4096xf32, #tpu.memory_space<hbm>> -> memref<8x4096xf32, #tpu.memory_space<hbm>>
    tpu.wait_dma2 semaphore(%arg6 : memref<!tpu.dma_semaphore, #tpu.memory_space<semaphore_mem>>) src(%dma_wait3A_34 : memref<8x4096xf32, #tpu.memory_space<hbm>>) dst(%dma_wait3A_30 : memref<8x4096xf32, #tpu.memory_space<vmem>>)
    %scan3A = arith.constant 0 : i32
    %scan3A_35 = arith.constant 0 : i32
    %scan3A_36 = arith.constant 8 : i32
    %scan3A_37 = arith.addi %scan3A_35, %scan3A_36 : i32
    %scan3A_38 = arith.constant 1 : i32
    scf.for %scan3A_46 = %scan3A_35 to %scan3A_37 step %scan3A_38  : i32 {
      %gt3A = arith.constant 0 : i32
      %gt3A_47 = arith.cmpi sgt, %scan3A_46, %gt3A : i32
      %convert_element_type3A = arith.extui %gt3A_47 : i1 to i32
      %cond3A = arith.constant 0 : i32
      %cond3A_48 = arith.cmpi ne, %convert_element_type3A, %cond3A : i32
      scf.if %cond3A_48 {
        %scan3A_81 = arith.constant 0 : i32
        %scan3A_82 = arith.constant 0 : i32
        %scan3A_83 = arith.constant 16 : i32
        %scan3A_84 = arith.addi %scan3A_82, %scan3A_83 : i32
        %scan3A_85 = arith.constant 1 : i32
        scf.for %scan3A_87 = %scan3A_82 to %scan3A_84 step %scan3A_85  : i32 {
          %dma_wait3A_88 = arith.constant 0 : i32
          %dma_wait3A_89 = arith.constant 0 : i32
          %dma_wait3A_90 = arith.constant 0 : i32
          %dma_wait3A_91 = arith.constant 0 : i32
          %dma_wait3A_92 = arith.constant 0 : i32
          %dma_wait3A_93 = tpu.memref_slice %arg4[%dma_wait3A_88, %dma_wait3A_91, %dma_wait3A_92] : memref<2x8x4096xf32, #tpu.memory_space<vmem>> -> memref<1x8x2048xf32, #tpu.memory_space<vmem>>
          %dma_wait3A_94 = tpu.memref_squeeze %dma_wait3A_93 : memref<1x8x2048xf32, #tpu.memory_space<vmem>> -> memref<8x2048xf32, #tpu.memory_space<vmem>>
          %dma_wait3A_95 = arith.constant 0 : i32
          %dma_wait3A_96 = arith.constant 0 : i32
          %dma_wait3A_97 = tpu.memref_slice %arg3[%dma_wait3A_89, %dma_wait3A_90, %dma_wait3A_95, %dma_wait3A_96] : memref<1x16x2048x2048xf32, #tpu.memory_space<hbm>> -> memref<1x1x8x2048xf32, #tpu.memory_space<hbm>>
          %dma_wait3A_98 = tpu.memref_squeeze %dma_wait3A_97 : memref<1x1x8x2048xf32, #tpu.memory_space<hbm>> -> memref<8x2048xf32, #tpu.memory_space<hbm>>
          %dma_wait3A_99 = arith.constant 0 : i32
          %dma_wait3A_100 = arith.constant 0 : i32
          %dma_wait3A_101 = tpu.memref_slice %arg3[%dma_wait3A_89, %dma_wait3A_90, %dma_wait3A_99, %dma_wait3A_100] : memref<1x16x2048x2048xf32, #tpu.memory_space<hbm>> -> memref<1x1x8x2048xf32, #tpu.memory_space<hbm>>
          %dma_wait3A_102 = tpu.memref_squeeze %dma_wait3A_101 : memref<1x1x8x2048xf32, #tpu.memory_space<hbm>> -> memref<8x2048xf32, #tpu.memory_space<hbm>>
          %dma_wait3A_103 = arith.constant 0 : i32
          %dma_wait3A_104 = arith.constant 0 : i32
          %dma_wait3A_105 = tpu.memref_slice %arg4[%dma_wait3A_88, %dma_wait3A_103, %dma_wait3A_104] : memref<2x8x4096xf32, #tpu.memory_space<vmem>> -> memref<1x8x2048xf32, #tpu.memory_space<vmem>>
          %dma_wait3A_106 = tpu.memref_squeeze %dma_wait3A_105 : memref<1x8x2048xf32, #tpu.memory_space<vmem>> -> memref<8x2048xf32, #tpu.memory_space<vmem>>
          tpu.wait_dma2 semaphore(%arg5 : memref<!tpu.dma_semaphore, #tpu.memory_space<semaphore_mem>>) src(%dma_wait3A_106 : memref<8x2048xf32, #tpu.memory_space<vmem>>) dst(%dma_wait3A_102 : memref<8x2048xf32, #tpu.memory_space<hbm>>)
        }
        %scan3A_86 = arith.constant 16 : i32
      } else {
      }
      %add3A_49 = arith.constant 1 : i32
      %add3A_50 = arith.addi %scan3A_46, %add3A_49 : i32
      %lt3A = arith.constant 8 : i32
      %lt3A_51 = arith.cmpi slt, %add3A_50, %lt3A : i32
      %convert_element_type3A_52 = arith.extui %lt3A_51 : i1 to i32
      %cond3A_53 = arith.constant 0 : i32
      %cond3A_54 = arith.cmpi ne, %convert_element_type3A_52, %cond3A_53 : i32
      scf.if %cond3A_54 {
        %add3A_81 = arith.constant 1 : i32
        %add3A_82 = arith.addi %scan3A_46, %add3A_81 : i32
        %add3A_83 = arith.constant 1 : i32
        %add3A_84 = arith.addi %scan3A_46, %add3A_83 : i32
        %jit3A_85 = arith.constant 2 : i32
        %eq3A_86 = arith.constant 0 : i32
        %eq3A_87 = arith.cmpi eq, %jit3A_85, %eq3A_86 : i32
        %jit3A_88 = arith.constant 1 : i32
        %select_n3A_89 = arith.select %eq3A_87, %jit3A_88, %jit3A_85 : i32
        %rem3A_90 = arith.remsi %add3A_84, %select_n3A_89 : i32
        %ne3A_91 = arith.constant 0 : i32
        %ne3A_92 = arith.cmpi ne, %rem3A_90, %ne3A_91 : i32
        %lt3A_93 = arith.constant 0 : i32
        %lt3A_94 = arith.cmpi slt, %rem3A_90, %lt3A_93 : i32
        %lt3A_95 = arith.constant 0 : i32
        %lt3A_96 = arith.cmpi slt, %select_n3A_89, %lt3A_95 : i32
        %ne3A_97 = arith.xori %lt3A_94, %lt3A_96 : i1
        %and3A_98 = arith.andi %ne3A_97, %ne3A_92 : i1
        %add3A_99 = arith.addi %rem3A_90, %select_n3A_89 : i32
        %select_n3A_100 = arith.select %and3A_98, %add3A_99, %rem3A_90 : i32
        %mul3A_101 = arith.constant 8 : i32
        %mul3A_102 = arith.muli %arg0, %mul3A_101 : i32
        %add3A_103 = arith.addi %mul3A_102, %add3A_82 : i32
        %dma_start3A_104 = arith.constant 0 : i32
        %dma_start3A_105 = arith.constant 0 : i32
        %dma_start3A_106 = tpu.memref_slice %arg4[%select_n3A_100, %dma_start3A_104, %dma_start3A_105] : memref<2x8x4096xf32, #tpu.memory_space<vmem>> -> memref<1x8x4096xf32, #tpu.memory_space<vmem>>
        %dma_start3A_107 = tpu.memref_squeeze %dma_start3A_106 : memref<1x8x4096xf32, #tpu.memory_space<vmem>> -> memref<8x4096xf32, #tpu.memory_space<vmem>>
        %dma_start3A_108 = arith.constant 0 : i32
        %dma_start3A_109 = tpu.memref_slice %arg2[%add3A_103, %multiple_of3A, %dma_start3A_108] : memref<16x128x4096xf32, #tpu.memory_space<hbm>> -> memref<1x8x4096xf32, #tpu.memory_space<hbm>>
        %dma_start3A_110 = tpu.memref_squeeze %dma_start3A_109 : memref<1x8x4096xf32, #tpu.memory_space<hbm>> -> memref<8x4096xf32, #tpu.memory_space<hbm>>
        %dma_start3A_111 = arith.constant 0 : i32
        %dma_start3A_112 = arith.constant 0 : i32
        %dma_start3A_113 = tpu.memref_slice %arg4[%select_n3A_100, %dma_start3A_111, %dma_start3A_112] : memref<2x8x4096xf32, #tpu.memory_space<vmem>> -> memref<1x8x4096xf32, #tpu.memory_space<vmem>>
        %dma_start3A_114 = tpu.memref_squeeze %dma_start3A_113 : memref<1x8x4096xf32, #tpu.memory_space<vmem>> -> memref<8x4096xf32, #tpu.memory_space<vmem>>
        %dma_start3A_115 = arith.constant 0 : i32
        %dma_start3A_116 = tpu.memref_slice %arg2[%add3A_103, %multiple_of3A, %dma_start3A_115] : memref<16x128x4096xf32, #tpu.memory_space<hbm>> -> memref<1x8x4096xf32, #tpu.memory_space<hbm>>
        %dma_start3A_117 = tpu.memref_squeeze %dma_start3A_116 : memref<1x8x4096xf32, #tpu.memory_space<hbm>> -> memref<8x4096xf32, #tpu.memory_space<hbm>>
        tpu.enqueue_dma source(%dma_start3A_117 : memref<8x4096xf32, #tpu.memory_space<hbm>>) target(%dma_start3A_114 : memref<8x4096xf32, #tpu.memory_space<vmem>>) target_semaphore(%arg6 : memref<!tpu.dma_semaphore, #tpu.memory_space<semaphore_mem>>)
      } else {
      }
      %mul3A_55 = arith.constant 8 : i32
      %mul3A_56 = arith.muli %arg0, %mul3A_55 : i32
      %add3A_57 = arith.addi %mul3A_56, %scan3A_46 : i32
      %jit3A = arith.constant 2 : i32
      %eq3A = arith.constant 0 : i32
      %eq3A_58 = arith.cmpi eq, %jit3A, %eq3A : i32
      %jit3A_59 = arith.constant 1 : i32
      %select_n3A = arith.select %eq3A_58, %jit3A_59, %jit3A : i32
      %rem3A = arith.remsi %scan3A_46, %select_n3A : i32
      %ne3A = arith.constant 0 : i32
      %ne3A_60 = arith.cmpi ne, %rem3A, %ne3A : i32
      %lt3A_61 = arith.constant 0 : i32
      %lt3A_62 = arith.cmpi slt, %rem3A, %lt3A_61 : i32
      %lt3A_63 = arith.constant 0 : i32
      %lt3A_64 = arith.cmpi slt, %select_n3A, %lt3A_63 : i32
      %ne3A_65 = arith.xori %lt3A_62, %lt3A_64 : i1
      %and3A = arith.andi %ne3A_65, %ne3A_60 : i1
      %add3A_66 = arith.addi %rem3A, %select_n3A : i32
      %select_n3A_67 = arith.select %and3A, %add3A_66, %rem3A : i32
      %scan3A_68 = arith.constant 0 : i32
      %scan3A_69 = arith.constant 0 : i32
      %scan3A_70 = arith.constant 16 : i32
      %scan3A_71 = arith.addi %scan3A_69, %scan3A_70 : i32
      %scan3A_72 = arith.constant 1 : i32
      scf.for %scan3A_81 = %scan3A_69 to %scan3A_71 step %scan3A_72  : i32 {
        %sub3A = arith.constant 15 : i32
        %sub3A_82 = arith.subi %sub3A, %scan3A_81 : i32
        %mul3A_83 = arith.constant 128 : i32
        %mul3A_84 = arith.muli %mul3A_83, %sub3A_82 : i32
        %multiple_of3A_85 = tpu.assume_multiple %mul3A_84, 128 : i32
        %mul3A_86 = arith.constant 128 : i32
        %mul3A_87 = arith.muli %mul3A_86, %scan3A_81 : i32
        %add3A_88 = arith.addi %mul3A_87, %multiple_of3A : i32
        %multiple_of3A_89 = tpu.assume_multiple %add3A_88, 8 : i32
        %dma_start3A_90 = arith.constant 0 : i32
        %dma_start3A_91 = arith.constant 0 : i32
        %dma_start3A_92 = tpu.memref_slice %arg4[%select_n3A_67, %dma_start3A_91, %multiple_of3A_85] : memref<2x8x4096xf32, #tpu.memory_space<vmem>> -> memref<1x8x2048xf32, #tpu.memory_space<vmem>>
        %dma_start3A_93 = tpu.memref_squeeze %dma_start3A_92 : memref<1x8x2048xf32, #tpu.memory_space<vmem>> -> memref<8x2048xf32, #tpu.memory_space<vmem>>
        %dma_start3A_94 = arith.constant 0 : i32
        %dma_start3A_95 = tpu.memref_slice %arg3[%dma_start3A_90, %add3A_57, %multiple_of3A_89, %dma_start3A_94] : memref<1x16x2048x2048xf32, #tpu.memory_space<hbm>> -> memref<1x1x8x2048xf32, #tpu.memory_space<hbm>>
        %dma_start3A_96 = tpu.memref_squeeze %dma_start3A_95 : memref<1x1x8x2048xf32, #tpu.memory_space<hbm>> -> memref<8x2048xf32, #tpu.memory_space<hbm>>
        %dma_start3A_97 = arith.constant 0 : i32
        %dma_start3A_98 = tpu.memref_slice %arg3[%dma_start3A_90, %add3A_57, %multiple_of3A_89, %dma_start3A_97] : memref<1x16x2048x2048xf32, #tpu.memory_space<hbm>> -> memref<1x1x8x2048xf32, #tpu.memory_space<hbm>>
        %dma_start3A_99 = tpu.memref_squeeze %dma_start3A_98 : memref<1x1x8x2048xf32, #tpu.memory_space<hbm>> -> memref<8x2048xf32, #tpu.memory_space<hbm>>
        %dma_start3A_100 = arith.constant 0 : i32
        %dma_start3A_101 = tpu.memref_slice %arg4[%select_n3A_67, %dma_start3A_100, %multiple_of3A_85] : memref<2x8x4096xf32, #tpu.memory_space<vmem>> -> memref<1x8x2048xf32, #tpu.memory_space<vmem>>
        %dma_start3A_102 = tpu.memref_squeeze %dma_start3A_101 : memref<1x8x2048xf32, #tpu.memory_space<vmem>> -> memref<8x2048xf32, #tpu.memory_space<vmem>>
        tpu.enqueue_dma source(%dma_start3A_102 : memref<8x2048xf32, #tpu.memory_space<vmem>>) target(%dma_start3A_99 : memref<8x2048xf32, #tpu.memory_space<hbm>>) target_semaphore(%arg5 : memref<!tpu.dma_semaphore, #tpu.memory_space<semaphore_mem>>)
      }
      %scan3A_73 = arith.constant 16 : i32
      %add3A_74 = arith.constant 1 : i32
      %add3A_75 = arith.addi %scan3A_46, %add3A_74 : i32
      %lt3A_76 = arith.constant 8 : i32
      %lt3A_77 = arith.cmpi slt, %add3A_75, %lt3A_76 : i32
      %convert_element_type3A_78 = arith.extui %lt3A_77 : i1 to i32
      %cond3A_79 = arith.constant 0 : i32
      %cond3A_80 = arith.cmpi ne, %convert_element_type3A_78, %cond3A_79 : i32
      scf.if %cond3A_80 {
        %dma_wait3A_81 = arith.constant 0 : i32
        %dma_wait3A_82 = arith.constant 0 : i32
        %dma_wait3A_83 = arith.constant 0 : i32
        %dma_wait3A_84 = arith.constant 0 : i32
        %dma_wait3A_85 = tpu.memref_slice %arg4[%dma_wait3A_82, %dma_wait3A_83, %dma_wait3A_84] : memref<2x8x4096xf32, #tpu.memory_space<vmem>> -> memref<1x8x4096xf32, #tpu.memory_space<vmem>>
        %dma_wait3A_86 = tpu.memref_squeeze %dma_wait3A_85 : memref<1x8x4096xf32, #tpu.memory_space<vmem>> -> memref<8x4096xf32, #tpu.memory_space<vmem>>
        %dma_wait3A_87 = arith.constant 0 : i32
        %dma_wait3A_88 = arith.constant 0 : i32
        %dma_wait3A_89 = tpu.memref_slice %arg2[%dma_wait3A_81, %dma_wait3A_87, %dma_wait3A_88] : memref<16x128x4096xf32, #tpu.memory_space<hbm>> -> memref<1x8x4096xf32, #tpu.memory_space<hbm>>
        %dma_wait3A_90 = tpu.memref_squeeze %dma_wait3A_89 : memref<1x8x4096xf32, #tpu.memory_space<hbm>> -> memref<8x4096xf32, #tpu.memory_space<hbm>>
        %dma_wait3A_91 = arith.constant 0 : i32
        %dma_wait3A_92 = arith.constant 0 : i32
        %dma_wait3A_93 = tpu.memref_slice %arg4[%dma_wait3A_82, %dma_wait3A_91, %dma_wait3A_92] : memref<2x8x4096xf32, #tpu.memory_space<vmem>> -> memref<1x8x4096xf32, #tpu.memory_space<vmem>>
        %dma_wait3A_94 = tpu.memref_squeeze %dma_wait3A_93 : memref<1x8x4096xf32, #tpu.memory_space<vmem>> -> memref<8x4096xf32, #tpu.memory_space<vmem>>
        %dma_wait3A_95 = arith.constant 0 : i32
        %dma_wait3A_96 = arith.constant 0 : i32
        %dma_wait3A_97 = tpu.memref_slice %arg2[%dma_wait3A_81, %dma_wait3A_95, %dma_wait3A_96] : memref<16x128x4096xf32, #tpu.memory_space<hbm>> -> memref<1x8x4096xf32, #tpu.memory_space<hbm>>
        %dma_wait3A_98 = tpu.memref_squeeze %dma_wait3A_97 : memref<1x8x4096xf32, #tpu.memory_space<hbm>> -> memref<8x4096xf32, #tpu.memory_space<hbm>>
        tpu.wait_dma2 semaphore(%arg6 : memref<!tpu.dma_semaphore, #tpu.memory_space<semaphore_mem>>) src(%dma_wait3A_98 : memref<8x4096xf32, #tpu.memory_space<hbm>>) dst(%dma_wait3A_94 : memref<8x4096xf32, #tpu.memory_space<vmem>>)
      } else {
      }
    }
    %scan3A_39 = arith.constant 8 : i32
    %scan3A_40 = arith.constant 0 : i32
    %scan3A_41 = arith.constant 0 : i32
    %scan3A_42 = arith.constant 16 : i32
    %scan3A_43 = arith.addi %scan3A_41, %scan3A_42 : i32
    %scan3A_44 = arith.constant 1 : i32
    scf.for %scan3A_46 = %scan3A_41 to %scan3A_43 step %scan3A_44  : i32 {
      %dma_wait3A_47 = arith.constant 0 : i32
      %dma_wait3A_48 = arith.constant 0 : i32
      %dma_wait3A_49 = arith.constant 0 : i32
      %dma_wait3A_50 = arith.constant 0 : i32
      %dma_wait3A_51 = arith.constant 0 : i32
      %dma_wait3A_52 = tpu.memref_slice %arg4[%dma_wait3A_47, %dma_wait3A_50, %dma_wait3A_51] : memref<2x8x4096xf32, #tpu.memory_space<vmem>> -> memref<1x8x2048xf32, #tpu.memory_space<vmem>>
      %dma_wait3A_53 = tpu.memref_squeeze %dma_wait3A_52 : memref<1x8x2048xf32, #tpu.memory_space<vmem>> -> memref<8x2048xf32, #tpu.memory_space<vmem>>
      %dma_wait3A_54 = arith.constant 0 : i32
      %dma_wait3A_55 = arith.constant 0 : i32
      %dma_wait3A_56 = tpu.memref_slice %arg3[%dma_wait3A_48, %dma_wait3A_49, %dma_wait3A_54, %dma_wait3A_55] : memref<1x16x2048x2048xf32, #tpu.memory_space<hbm>> -> memref<1x1x8x2048xf32, #tpu.memory_space<hbm>>
      %dma_wait3A_57 = tpu.memref_squeeze %dma_wait3A_56 : memref<1x1x8x2048xf32, #tpu.memory_space<hbm>> -> memref<8x2048xf32, #tpu.memory_space<hbm>>
      %dma_wait3A_58 = arith.constant 0 : i32
      %dma_wait3A_59 = arith.constant 0 : i32
      %dma_wait3A_60 = tpu.memref_slice %arg3[%dma_wait3A_48, %dma_wait3A_49, %dma_wait3A_58, %dma_wait3A_59] : memref<1x16x2048x2048xf32, #tpu.memory_space<hbm>> -> memref<1x1x8x2048xf32, #tpu.memory_space<hbm>>
      %dma_wait3A_61 = tpu.memref_squeeze %dma_wait3A_60 : memref<1x1x8x2048xf32, #tpu.memory_space<hbm>> -> memref<8x2048xf32, #tpu.memory_space<hbm>>
      %dma_wait3A_62 = arith.constant 0 : i32
      %dma_wait3A_63 = arith.constant 0 : i32
      %dma_wait3A_64 = tpu.memref_slice %arg4[%dma_wait3A_47, %dma_wait3A_62, %dma_wait3A_63] : memref<2x8x4096xf32, #tpu.memory_space<vmem>> -> memref<1x8x2048xf32, #tpu.memory_space<vmem>>
      %dma_wait3A_65 = tpu.memref_squeeze %dma_wait3A_64 : memref<1x8x2048xf32, #tpu.memory_space<vmem>> -> memref<8x2048xf32, #tpu.memory_space<vmem>>
      tpu.wait_dma2 semaphore(%arg5 : memref<!tpu.dma_semaphore, #tpu.memory_space<semaphore_mem>>) src(%dma_wait3A_65 : memref<8x2048xf32, #tpu.memory_space<vmem>>) dst(%dma_wait3A_61 : memref<8x2048xf32, #tpu.memory_space<hbm>>)
    }
    %scan3A_45 = arith.constant 16 : i32
    return
  }
}

module attributes {stable_mosaic.version = 14 : i64} {
  func.func @_table_body(%arg0: i32, %arg1: memref<1x1xi32, #tpu.memory_space<smem>>, %arg2: memref<32x16xf32, #tpu.memory_space<vmem>>, %arg3: memref<1x128x4096xf32, #tpu.memory_space<vmem>>, %arg4: memref<16x4224xf32, #tpu.memory_space<vmem>>, %arg5: memref<8x4224xf32, #tpu.memory_space<vmem>>) attributes {dimension_semantics = [#tpu.dimension_semantics<arbitrary>], iteration_bounds = array<i64: 16>, scalar_prefetch = 0 : i64, scratch_operands = 2 : i64, tpu.core_type = #tpu.core_type<tc>, window_params = [{transform_indices = @transform_0, window_bounds = array<i64: 1, 1>}, {pipeline_mode = #tpu.pipeline_mode<synchronous>, transform_indices = @transform_1, window_bounds = array<i64: 32, 16>}, {transform_indices = @transform_2, window_bounds = array<i64: 1, 128, 4096>}]} {
    %eq3A = arith.constant 0 : i32
    %eq3A_0 = arith.cmpi eq, %arg0, %eq3A : i32
    %convert_element_type3A = arith.extui %eq3A_0 : i1 to i32
    %cond3A = arith.constant 0 : i32
    %cond3A_1 = arith.cmpi ne, %convert_element_type3A, %cond3A : i32
    scf.if %cond3A_1 {
      %iota3A = tpu.iota {dimensions = array<i32: 1>} : vector<1x4224xi32>
      %sub3A = arith.constant 2047 : i32
      %sub3A_192 = vector.broadcast %sub3A : i32 to vector<1x4224xi32>
      %sub3A_193 = arith.subi %iota3A, %sub3A_192 : vector<1x4224xi32>
      %get3A_194 = arith.constant 0 : index
      %get3A_195 = arith.constant 0 : index
      %get3A_196 = memref.load %arg1[%get3A_194, %get3A_195] : memref<1x1xi32, #tpu.memory_space<smem>>
      %add3A = vector.broadcast %get3A_196 : i32 to vector<1x4224xi32>
      %add3A_197 = arith.addi %sub3A_193, %add3A : vector<1x4224xi32>
      %neg3A = arith.constant 0 : i32
      %neg3A_198 = vector.broadcast %neg3A : i32 to vector<1x4224xi32>
      %neg3A_199 = arith.subi %neg3A_198, %add3A_197 : vector<1x4224xi32>
      %lt3A = arith.constant 0 : i32
      %lt3A_200 = vector.broadcast %lt3A : i32 to vector<1x4224xi32>
      %lt3A_201 = arith.cmpi slt, %neg3A_199, %lt3A_200 : vector<1x4224xi32>
      %jit3A = arith.constant 16 : i32
      %jit3A_202 = arith.constant 0 : i32
      %broadcast_in_dim3A = vector.broadcast %jit3A : i32 to vector<1x4224xi32>
      %broadcast_in_dim3A_203 = vector.broadcast %jit3A_202 : i32 to vector<1x4224xi32>
      %select_n3A = arith.select %lt3A_201, %broadcast_in_dim3A, %broadcast_in_dim3A_203 : vector<1x4224xi1>, vector<1x4224xi32>
      %abs3A = math.absi %neg3A_199 : vector<1x4224xi32>
      %lt3A_204 = arith.constant 8 : i32
      %lt3A_205 = vector.broadcast %lt3A_204 : i32 to vector<1x4224xi32>
      %lt3A_206 = arith.cmpi slt, %abs3A, %lt3A_205 : vector<1x4224xi32>
      %convert_element_type3A_207 = arith.sitofp %abs3A : vector<1x4224xi32> to vector<1x4224xf32>
      %div3A = arith.constant 8.000000e+00 : f32
      %div3A_208 = vector.broadcast %div3A : f32 to vector<1x4224xf32>
      %div3A_209 = arith.divf %convert_element_type3A_207, %div3A_208 : vector<1x4224xf32>
      %log3A = math.log %div3A_209 : vector<1x4224xf32>
      %div3A_210 = arith.constant 2.77258873 : f32
      %div3A_211 = vector.broadcast %div3A_210 : f32 to vector<1x4224xf32>
      %div3A_212 = arith.divf %log3A, %div3A_211 : vector<1x4224xf32>
      %mul3A = arith.constant 8.000000e+00 : f32
      %mul3A_213 = vector.broadcast %mul3A : f32 to vector<1x4224xf32>
      %mul3A_214 = arith.mulf %div3A_212, %mul3A_213 : vector<1x4224xf32>
      %convert_element_type3A_215 = arith.fptosi %mul3A_214 : vector<1x4224xf32> to vector<1x4224xi32>
      %add3A_216 = arith.constant 8 : i32
      %add3A_217 = vector.broadcast %add3A_216 : i32 to vector<1x4224xi32>
      %add3A_218 = arith.addi %add3A_217, %convert_element_type3A_215 : vector<1x4224xi32>
      %min3A = arith.constant 15 : i32
      %min3A_219 = vector.broadcast %min3A : i32 to vector<1x4224xi32>
      %min3A_220 = arith.minsi %add3A_218, %min3A_219 : vector<1x4224xi32>
      %select_n3A_221 = arith.select %lt3A_206, %abs3A, %min3A_220 : vector<1x4224xi1>, vector<1x4224xi32>
      %add3A_222 = arith.addi %select_n3A, %select_n3A_221 : vector<1x4224xi32>
      %iota3A_223 = tpu.iota {dimensions = array<i32: 0>} : vector<32x4224xi32>
      %eq3A_224 = vector.broadcast %add3A_222 : vector<1x4224xi32> to vector<32x4224xi32>
      %eq3A_225 = arith.cmpi eq, %iota3A_223, %eq3A_224 : vector<32x4224xi32>
      %convert_element_type3A_226 = arith.extui %eq3A_225 : vector<32x4224xi1> to vector<32x4224xi32>
      %convert_element_type3A_227 = arith.sitofp %convert_element_type3A_226 : vector<32x4224xi32> to vector<32x4224xf32>
      %get3A_228 = arith.constant 0 : index
      %get3A_229 = arith.constant 0 : index
      %get3A_230 = vector.load %arg2[%get3A_228, %get3A_229] : memref<32x16xf32, #tpu.memory_space<vmem>>, vector<32x16xf32>
      %dot_general3A = arith.constant dense<0.000000e+00> : vector<16x4224xf32>
      %dot_general3A_231 = tpu.matmul %get3A_230, %convert_element_type3A_227, %dot_general3A {dimension_numbers = #tpu.dot_dimension_numbers<[0], [0], [1], [1], [0, 1, 1, 1], [], []>, precision = #tpu.contract_precision<fp32>, transpose_lhs_hint = false} : vector<32x16xf32>, vector<32x4224xf32>, vector<16x4224xf32> -> vector<16x4224xf32>
      %swap3A_232 = arith.constant 0 : index
      %swap3A_233 = arith.constant 0 : index
      %swap3A_234 = vector.load %arg4[%swap3A_232, %swap3A_233] : memref<16x4224xf32, #tpu.memory_space<vmem>>, vector<16x4224xf32>
      tpu.vector_store %arg4[%swap3A_232, %swap3A_233], %dot_general3A_231 {strides = array<i32>} : memref<16x4224xf32, #tpu.memory_space<vmem>>, vector<16x4224xf32>,
    } else {
    }
    %get3A = arith.index_cast %arg0 : i32 to index
    %get3A_2 = arith.constant 7 : index
    %get3A_3 = vector.load %arg4[%get3A, %get3A_2] : memref<16x4224xf32, #tpu.memory_space<vmem>>, vector<1x4216xf32>
    %swap3A = arith.constant 0 : index
    %swap3A_4 = arith.constant 0 : index
    %swap3A_5 = vector.load %arg5[%swap3A, %swap3A_4] : memref<8x4224xf32, #tpu.memory_space<vmem>>, vector<1x4216xf32>
    tpu.vector_store %arg5[%swap3A, %swap3A_4], %get3A_3 {strides = array<i32>} : memref<8x4224xf32, #tpu.memory_space<vmem>>, vector<1x4216xf32>,
    %get3A_6 = arith.index_cast %arg0 : i32 to index
    %get3A_7 = arith.constant 6 : index
    %get3A_8 = vector.load %arg4[%get3A_6, %get3A_7] : memref<16x4224xf32, #tpu.memory_space<vmem>>, vector<1x4216xf32>
    %swap3A_9 = arith.constant 1 : index
    %swap3A_10 = arith.constant 0 : index
    %swap3A_11 = vector.load %arg5[%swap3A_9, %swap3A_10] : memref<8x4224xf32, #tpu.memory_space<vmem>>, vector<1x4216xf32>
    tpu.vector_store %arg5[%swap3A_9, %swap3A_10], %get3A_8 {strides = array<i32>} : memref<8x4224xf32, #tpu.memory_space<vmem>>, vector<1x4216xf32>,
    %get3A_12 = arith.index_cast %arg0 : i32 to index
    %get3A_13 = arith.constant 5 : index
    %get3A_14 = vector.load %arg4[%get3A_12, %get3A_13] : memref<16x4224xf32, #tpu.memory_space<vmem>>, vector<1x4216xf32>
    %swap3A_15 = arith.constant 2 : index
    %swap3A_16 = arith.constant 0 : index
    %swap3A_17 = vector.load %arg5[%swap3A_15, %swap3A_16] : memref<8x4224xf32, #tpu.memory_space<vmem>>, vector<1x4216xf32>
    tpu.vector_store %arg5[%swap3A_15, %swap3A_16], %get3A_14 {strides = array<i32>} : memref<8x4224xf32, #tpu.memory_space<vmem>>, vector<1x4216xf32>,
    %get3A_18 = arith.index_cast %arg0 : i32 to index
    %get3A_19 = arith.constant 4 : index
    %get3A_20 = vector.load %arg4[%get3A_18, %get3A_19] : memref<16x4224xf32, #tpu.memory_space<vmem>>, vector<1x4216xf32>
    %swap3A_21 = arith.constant 3 : index
    %swap3A_22 = arith.constant 0 : index
    %swap3A_23 = vector.load %arg5[%swap3A_21, %swap3A_22] : memref<8x4224xf32, #tpu.memory_space<vmem>>, vector<1x4216xf32>
    tpu.vector_store %arg5[%swap3A_21, %swap3A_22], %get3A_20 {strides = array<i32>} : memref<8x4224xf32, #tpu.memory_space<vmem>>, vector<1x4216xf32>,
    %get3A_24 = arith.index_cast %arg0 : i32 to index
    %get3A_25 = arith.constant 3 : index
    %get3A_26 = vector.load %arg4[%get3A_24, %get3A_25] : memref<16x4224xf32, #tpu.memory_space<vmem>>, vector<1x4216xf32>
    %swap3A_27 = arith.constant 4 : index
    %swap3A_28 = arith.constant 0 : index
    %swap3A_29 = vector.load %arg5[%swap3A_27, %swap3A_28] : memref<8x4224xf32, #tpu.memory_space<vmem>>, vector<1x4216xf32>
    tpu.vector_store %arg5[%swap3A_27, %swap3A_28], %get3A_26 {strides = array<i32>} : memref<8x4224xf32, #tpu.memory_space<vmem>>, vector<1x4216xf32>,
    %get3A_30 = arith.index_cast %arg0 : i32 to index
    %get3A_31 = arith.constant 2 : index
    %get3A_32 = vector.load %arg4[%get3A_30, %get3A_31] : memref<16x4224xf32, #tpu.memory_space<vmem>>, vector<1x4216xf32>
    %swap3A_33 = arith.constant 5 : index
    %swap3A_34 = arith.constant 0 : index
    %swap3A_35 = vector.load %arg5[%swap3A_33, %swap3A_34] : memref<8x4224xf32, #tpu.memory_space<vmem>>, vector<1x4216xf32>
    tpu.vector_store %arg5[%swap3A_33, %swap3A_34], %get3A_32 {strides = array<i32>} : memref<8x4224xf32, #tpu.memory_space<vmem>>, vector<1x4216xf32>,
    %get3A_36 = arith.index_cast %arg0 : i32 to index
    %get3A_37 = arith.constant 1 : index
    %get3A_38 = vector.load %arg4[%get3A_36, %get3A_37] : memref<16x4224xf32, #tpu.memory_space<vmem>>, vector<1x4216xf32>
    %swap3A_39 = arith.constant 6 : index
    %swap3A_40 = arith.constant 0 : index
    %swap3A_41 = vector.load %arg5[%swap3A_39, %swap3A_40] : memref<8x4224xf32, #tpu.memory_space<vmem>>, vector<1x4216xf32>
    tpu.vector_store %arg5[%swap3A_39, %swap3A_40], %get3A_38 {strides = array<i32>} : memref<8x4224xf32, #tpu.memory_space<vmem>>, vector<1x4216xf32>,
    %get3A_42 = arith.index_cast %arg0 : i32 to index
    %get3A_43 = arith.constant 0 : index
    %get3A_44 = vector.load %arg4[%get3A_42, %get3A_43] : memref<16x4224xf32, #tpu.memory_space<vmem>>, vector<1x4216xf32>
    %swap3A_45 = arith.constant 7 : index
    %swap3A_46 = arith.constant 0 : index
    %swap3A_47 = vector.load %arg5[%swap3A_45, %swap3A_46] : memref<8x4224xf32, #tpu.memory_space<vmem>>, vector<1x4216xf32>
    tpu.vector_store %arg5[%swap3A_45, %swap3A_46], %get3A_44 {strides = array<i32>} : memref<8x4224xf32, #tpu.memory_space<vmem>>, vector<1x4216xf32>,
    %get3A_48 = arith.constant 0 : index
    %get3A_49 = arith.constant 120 : index
    %get3A_50 = vector.load %arg5[%get3A_48, %get3A_49] : memref<8x4224xf32, #tpu.memory_space<vmem>>, vector<8x4096xf32>
    %swap3A_51 = arith.constant 0 : index
    %swap3A_52 = arith.constant 0 : index
    %swap3A_53 = arith.constant 0 : index
    %swap3A_54 = vector.load %arg3[%swap3A_51, %swap3A_52, %swap3A_53] : memref<1x128x4096xf32, #tpu.memory_space<vmem>>, vector<1x8x4096xf32>
    %swap3A_55 = vector.shape_cast %swap3A_54 : vector<1x8x4096xf32> to vector<8x4096xf32>
    %swap3A_56 = vector.shape_cast %get3A_50 : vector<8x4096xf32> to vector<1x8x4096xf32>
    tpu.vector_store %arg3[%swap3A_51, %swap3A_52, %swap3A_53], %swap3A_56 {strides = array<i32>} : memref<1x128x4096xf32, #tpu.memory_space<vmem>>, vector<1x8x4096xf32>,
    %get3A_57 = arith.constant 0 : index
    %get3A_58 = arith.constant 112 : index
    %get3A_59 = vector.load %arg5[%get3A_57, %get3A_58] : memref<8x4224xf32, #tpu.memory_space<vmem>>, vector<8x4096xf32>
    %swap3A_60 = arith.constant 0 : index
    %swap3A_61 = arith.constant 8 : index
    %swap3A_62 = arith.constant 0 : index
    %swap3A_63 = vector.load %arg3[%swap3A_60, %swap3A_61, %swap3A_62] : memref<1x128x4096xf32, #tpu.memory_space<vmem>>, vector<1x8x4096xf32>
    %swap3A_64 = vector.shape_cast %swap3A_63 : vector<1x8x4096xf32> to vector<8x4096xf32>
    %swap3A_65 = vector.shape_cast %get3A_59 : vector<8x4096xf32> to vector<1x8x4096xf32>
    tpu.vector_store %arg3[%swap3A_60, %swap3A_61, %swap3A_62], %swap3A_65 {strides = array<i32>} : memref<1x128x4096xf32, #tpu.memory_space<vmem>>, vector<1x8x4096xf32>,
    %get3A_66 = arith.constant 0 : index
    %get3A_67 = arith.constant 104 : index
    %get3A_68 = vector.load %arg5[%get3A_66, %get3A_67] : memref<8x4224xf32, #tpu.memory_space<vmem>>, vector<8x4096xf32>
    %swap3A_69 = arith.constant 0 : index
    %swap3A_70 = arith.constant 16 : index
    %swap3A_71 = arith.constant 0 : index
    %swap3A_72 = vector.load %arg3[%swap3A_69, %swap3A_70, %swap3A_71] : memref<1x128x4096xf32, #tpu.memory_space<vmem>>, vector<1x8x4096xf32>
    %swap3A_73 = vector.shape_cast %swap3A_72 : vector<1x8x4096xf32> to vector<8x4096xf32>
    %swap3A_74 = vector.shape_cast %get3A_68 : vector<8x4096xf32> to vector<1x8x4096xf32>
    tpu.vector_store %arg3[%swap3A_69, %swap3A_70, %swap3A_71], %swap3A_74 {strides = array<i32>} : memref<1x128x4096xf32, #tpu.memory_space<vmem>>, vector<1x8x4096xf32>,
    %get3A_75 = arith.constant 0 : index
    %get3A_76 = arith.constant 96 : index
    %get3A_77 = vector.load %arg5[%get3A_75, %get3A_76] : memref<8x4224xf32, #tpu.memory_space<vmem>>, vector<8x4096xf32>
    %swap3A_78 = arith.constant 0 : index
    %swap3A_79 = arith.constant 24 : index
    %swap3A_80 = arith.constant 0 : index
    %swap3A_81 = vector.load %arg3[%swap3A_78, %swap3A_79, %swap3A_80] : memref<1x128x4096xf32, #tpu.memory_space<vmem>>, vector<1x8x4096xf32>
    %swap3A_82 = vector.shape_cast %swap3A_81 : vector<1x8x4096xf32> to vector<8x4096xf32>
    %swap3A_83 = vector.shape_cast %get3A_77 : vector<8x4096xf32> to vector<1x8x4096xf32>
    tpu.vector_store %arg3[%swap3A_78, %swap3A_79, %swap3A_80], %swap3A_83 {strides = array<i32>} : memref<1x128x4096xf32, #tpu.memory_space<vmem>>, vector<1x8x4096xf32>,
    %get3A_84 = arith.constant 0 : index
    %get3A_85 = arith.constant 88 : index
    %get3A_86 = vector.load %arg5[%get3A_84, %get3A_85] : memref<8x4224xf32, #tpu.memory_space<vmem>>, vector<8x4096xf32>
    %swap3A_87 = arith.constant 0 : index
    %swap3A_88 = arith.constant 32 : index
    %swap3A_89 = arith.constant 0 : index
    %swap3A_90 = vector.load %arg3[%swap3A_87, %swap3A_88, %swap3A_89] : memref<1x128x4096xf32, #tpu.memory_space<vmem>>, vector<1x8x4096xf32>
    %swap3A_91 = vector.shape_cast %swap3A_90 : vector<1x8x4096xf32> to vector<8x4096xf32>
    %swap3A_92 = vector.shape_cast %get3A_86 : vector<8x4096xf32> to vector<1x8x4096xf32>
    tpu.vector_store %arg3[%swap3A_87, %swap3A_88, %swap3A_89], %swap3A_92 {strides = array<i32>} : memref<1x128x4096xf32, #tpu.memory_space<vmem>>, vector<1x8x4096xf32>,
    %get3A_93 = arith.constant 0 : index
    %get3A_94 = arith.constant 80 : index
    %get3A_95 = vector.load %arg5[%get3A_93, %get3A_94] : memref<8x4224xf32, #tpu.memory_space<vmem>>, vector<8x4096xf32>
    %swap3A_96 = arith.constant 0 : index
    %swap3A_97 = arith.constant 40 : index
    %swap3A_98 = arith.constant 0 : index
    %swap3A_99 = vector.load %arg3[%swap3A_96, %swap3A_97, %swap3A_98] : memref<1x128x4096xf32, #tpu.memory_space<vmem>>, vector<1x8x4096xf32>
    %swap3A_100 = vector.shape_cast %swap3A_99 : vector<1x8x4096xf32> to vector<8x4096xf32>
    %swap3A_101 = vector.shape_cast %get3A_95 : vector<8x4096xf32> to vector<1x8x4096xf32>
    tpu.vector_store %arg3[%swap3A_96, %swap3A_97, %swap3A_98], %swap3A_101 {strides = array<i32>} : memref<1x128x4096xf32, #tpu.memory_space<vmem>>, vector<1x8x4096xf32>,
    %get3A_102 = arith.constant 0 : index
    %get3A_103 = arith.constant 72 : index
    %get3A_104 = vector.load %arg5[%get3A_102, %get3A_103] : memref<8x4224xf32, #tpu.memory_space<vmem>>, vector<8x4096xf32>
    %swap3A_105 = arith.constant 0 : index
    %swap3A_106 = arith.constant 48 : index
    %swap3A_107 = arith.constant 0 : index
    %swap3A_108 = vector.load %arg3[%swap3A_105, %swap3A_106, %swap3A_107] : memref<1x128x4096xf32, #tpu.memory_space<vmem>>, vector<1x8x4096xf32>
    %swap3A_109 = vector.shape_cast %swap3A_108 : vector<1x8x4096xf32> to vector<8x4096xf32>
    %swap3A_110 = vector.shape_cast %get3A_104 : vector<8x4096xf32> to vector<1x8x4096xf32>
    tpu.vector_store %arg3[%swap3A_105, %swap3A_106, %swap3A_107], %swap3A_110 {strides = array<i32>} : memref<1x128x4096xf32, #tpu.memory_space<vmem>>, vector<1x8x4096xf32>,
    %get3A_111 = arith.constant 0 : index
    %get3A_112 = arith.constant 64 : index
    %get3A_113 = vector.load %arg5[%get3A_111, %get3A_112] : memref<8x4224xf32, #tpu.memory_space<vmem>>, vector<8x4096xf32>
    %swap3A_114 = arith.constant 0 : index
    %swap3A_115 = arith.constant 56 : index
    %swap3A_116 = arith.constant 0 : index
    %swap3A_117 = vector.load %arg3[%swap3A_114, %swap3A_115, %swap3A_116] : memref<1x128x4096xf32, #tpu.memory_space<vmem>>, vector<1x8x4096xf32>
    %swap3A_118 = vector.shape_cast %swap3A_117 : vector<1x8x4096xf32> to vector<8x4096xf32>
    %swap3A_119 = vector.shape_cast %get3A_113 : vector<8x4096xf32> to vector<1x8x4096xf32>
    tpu.vector_store %arg3[%swap3A_114, %swap3A_115, %swap3A_116], %swap3A_119 {strides = array<i32>} : memref<1x128x4096xf32, #tpu.memory_space<vmem>>, vector<1x8x4096xf32>,
    %get3A_120 = arith.constant 0 : index
    %get3A_121 = arith.constant 56 : index
    %get3A_122 = vector.load %arg5[%get3A_120, %get3A_121] : memref<8x4224xf32, #tpu.memory_space<vmem>>, vector<8x4096xf32>
    %swap3A_123 = arith.constant 0 : index
    %swap3A_124 = arith.constant 64 : index
    %swap3A_125 = arith.constant 0 : index
    %swap3A_126 = vector.load %arg3[%swap3A_123, %swap3A_124, %swap3A_125] : memref<1x128x4096xf32, #tpu.memory_space<vmem>>, vector<1x8x4096xf32>
    %swap3A_127 = vector.shape_cast %swap3A_126 : vector<1x8x4096xf32> to vector<8x4096xf32>
    %swap3A_128 = vector.shape_cast %get3A_122 : vector<8x4096xf32> to vector<1x8x4096xf32>
    tpu.vector_store %arg3[%swap3A_123, %swap3A_124, %swap3A_125], %swap3A_128 {strides = array<i32>} : memref<1x128x4096xf32, #tpu.memory_space<vmem>>, vector<1x8x4096xf32>,
    %get3A_129 = arith.constant 0 : index
    %get3A_130 = arith.constant 48 : index
    %get3A_131 = vector.load %arg5[%get3A_129, %get3A_130] : memref<8x4224xf32, #tpu.memory_space<vmem>>, vector<8x4096xf32>
    %swap3A_132 = arith.constant 0 : index
    %swap3A_133 = arith.constant 72 : index
    %swap3A_134 = arith.constant 0 : index
    %swap3A_135 = vector.load %arg3[%swap3A_132, %swap3A_133, %swap3A_134] : memref<1x128x4096xf32, #tpu.memory_space<vmem>>, vector<1x8x4096xf32>
    %swap3A_136 = vector.shape_cast %swap3A_135 : vector<1x8x4096xf32> to vector<8x4096xf32>
    %swap3A_137 = vector.shape_cast %get3A_131 : vector<8x4096xf32> to vector<1x8x4096xf32>
    tpu.vector_store %arg3[%swap3A_132, %swap3A_133, %swap3A_134], %swap3A_137 {strides = array<i32>} : memref<1x128x4096xf32, #tpu.memory_space<vmem>>, vector<1x8x4096xf32>,
    %get3A_138 = arith.constant 0 : index
    %get3A_139 = arith.constant 40 : index
    %get3A_140 = vector.load %arg5[%get3A_138, %get3A_139] : memref<8x4224xf32, #tpu.memory_space<vmem>>, vector<8x4096xf32>
    %swap3A_141 = arith.constant 0 : index
    %swap3A_142 = arith.constant 80 : index
    %swap3A_143 = arith.constant 0 : index
    %swap3A_144 = vector.load %arg3[%swap3A_141, %swap3A_142, %swap3A_143] : memref<1x128x4096xf32, #tpu.memory_space<vmem>>, vector<1x8x4096xf32>
    %swap3A_145 = vector.shape_cast %swap3A_144 : vector<1x8x4096xf32> to vector<8x4096xf32>
    %swap3A_146 = vector.shape_cast %get3A_140 : vector<8x4096xf32> to vector<1x8x4096xf32>
    tpu.vector_store %arg3[%swap3A_141, %swap3A_142, %swap3A_143], %swap3A_146 {strides = array<i32>} : memref<1x128x4096xf32, #tpu.memory_space<vmem>>, vector<1x8x4096xf32>,
    %get3A_147 = arith.constant 0 : index
    %get3A_148 = arith.constant 32 : index
    %get3A_149 = vector.load %arg5[%get3A_147, %get3A_148] : memref<8x4224xf32, #tpu.memory_space<vmem>>, vector<8x4096xf32>
    %swap3A_150 = arith.constant 0 : index
    %swap3A_151 = arith.constant 88 : index
    %swap3A_152 = arith.constant 0 : index
    %swap3A_153 = vector.load %arg3[%swap3A_150, %swap3A_151, %swap3A_152] : memref<1x128x4096xf32, #tpu.memory_space<vmem>>, vector<1x8x4096xf32>
    %swap3A_154 = vector.shape_cast %swap3A_153 : vector<1x8x4096xf32> to vector<8x4096xf32>
    %swap3A_155 = vector.shape_cast %get3A_149 : vector<8x4096xf32> to vector<1x8x4096xf32>
    tpu.vector_store %arg3[%swap3A_150, %swap3A_151, %swap3A_152], %swap3A_155 {strides = array<i32>} : memref<1x128x4096xf32, #tpu.memory_space<vmem>>, vector<1x8x4096xf32>,
    %get3A_156 = arith.constant 0 : index
    %get3A_157 = arith.constant 24 : index
    %get3A_158 = vector.load %arg5[%get3A_156, %get3A_157] : memref<8x4224xf32, #tpu.memory_space<vmem>>, vector<8x4096xf32>
    %swap3A_159 = arith.constant 0 : index
    %swap3A_160 = arith.constant 96 : index
    %swap3A_161 = arith.constant 0 : index
    %swap3A_162 = vector.load %arg3[%swap3A_159, %swap3A_160, %swap3A_161] : memref<1x128x4096xf32, #tpu.memory_space<vmem>>, vector<1x8x4096xf32>
    %swap3A_163 = vector.shape_cast %swap3A_162 : vector<1x8x4096xf32> to vector<8x4096xf32>
    %swap3A_164 = vector.shape_cast %get3A_158 : vector<8x4096xf32> to vector<1x8x4096xf32>
    tpu.vector_store %arg3[%swap3A_159, %swap3A_160, %swap3A_161], %swap3A_164 {strides = array<i32>} : memref<1x128x4096xf32, #tpu.memory_space<vmem>>, vector<1x8x4096xf32>,
    %get3A_165 = arith.constant 0 : index
    %get3A_166 = arith.constant 16 : index
    %get3A_167 = vector.load %arg5[%get3A_165, %get3A_166] : memref<8x4224xf32, #tpu.memory_space<vmem>>, vector<8x4096xf32>
    %swap3A_168 = arith.constant 0 : index
    %swap3A_169 = arith.constant 104 : index
    %swap3A_170 = arith.constant 0 : index
    %swap3A_171 = vector.load %arg3[%swap3A_168, %swap3A_169, %swap3A_170] : memref<1x128x4096xf32, #tpu.memory_space<vmem>>, vector<1x8x4096xf32>
    %swap3A_172 = vector.shape_cast %swap3A_171 : vector<1x8x4096xf32> to vector<8x4096xf32>
    %swap3A_173 = vector.shape_cast %get3A_167 : vector<8x4096xf32> to vector<1x8x4096xf32>
    tpu.vector_store %arg3[%swap3A_168, %swap3A_169, %swap3A_170], %swap3A_173 {strides = array<i32>} : memref<1x128x4096xf32, #tpu.memory_space<vmem>>, vector<1x8x4096xf32>,
    %get3A_174 = arith.constant 0 : index
    %get3A_175 = arith.constant 8 : index
    %get3A_176 = vector.load %arg5[%get3A_174, %get3A_175] : memref<8x4224xf32, #tpu.memory_space<vmem>>, vector<8x4096xf32>
    %swap3A_177 = arith.constant 0 : index
    %swap3A_178 = arith.constant 112 : index
    %swap3A_179 = arith.constant 0 : index
    %swap3A_180 = vector.load %arg3[%swap3A_177, %swap3A_178, %swap3A_179] : memref<1x128x4096xf32, #tpu.memory_space<vmem>>, vector<1x8x4096xf32>
    %swap3A_181 = vector.shape_cast %swap3A_180 : vector<1x8x4096xf32> to vector<8x4096xf32>
    %swap3A_182 = vector.shape_cast %get3A_176 : vector<8x4096xf32> to vector<1x8x4096xf32>
    tpu.vector_store %arg3[%swap3A_177, %swap3A_178, %swap3A_179], %swap3A_182 {strides = array<i32>} : memref<1x128x4096xf32, #tpu.memory_space<vmem>>, vector<1x8x4096xf32>,
    %get3A_183 = arith.constant 0 : index
    %get3A_184 = arith.constant 0 : index
    %get3A_185 = vector.load %arg5[%get3A_183, %get3A_184] : memref<8x4224xf32, #tpu.memory_space<vmem>>, vector<8x4096xf32>
    %swap3A_186 = arith.constant 0 : index
    %swap3A_187 = arith.constant 120 : index
    %swap3A_188 = arith.constant 0 : index
    %swap3A_189 = vector.load %arg3[%swap3A_186, %swap3A_187, %swap3A_188] : memref<1x128x4096xf32, #tpu.memory_space<vmem>>, vector<1x8x4096xf32>
    %swap3A_190 = vector.shape_cast %swap3A_189 : vector<1x8x4096xf32> to vector<8x4096xf32>
    %swap3A_191 = vector.shape_cast %get3A_185 : vector<8x4096xf32> to vector<1x8x4096xf32>
    tpu.vector_store %arg3[%swap3A_186, %swap3A_187, %swap3A_188], %swap3A_191 {strides = array<i32>} : memref<1x128x4096xf32, #tpu.memory_space<vmem>>, vector<1x8x4096xf32>,
    return
  }
  func.func @transform_0(%arg0: i32) -> (i32, i32) {
    %c0_i32 = arith.constant 0 : i32
    %c0_i32_0 = arith.constant 0 : i32
    %c0_i32_1 = arith.constant 0 : i32
    return %c0_i32, %c0_i32_0 : i32, i32
  }
  func.func @transform_1(%arg0: i32) -> (i32, i32) {
    %c0_i32 = arith.constant 0 : i32
    %c0_i32_0 = arith.constant 0 : i32
    %c0_i32_1 = arith.constant 0 : i32
    return %c0_i32, %c0_i32_0 : i32, i32
  }
  func.func @transform_2(%arg0: i32) -> (i32, i32, i32) {
    %c0_i32 = arith.constant 0 : i32
    %c0_i32_0 = arith.constant 0 : i32
    %c0_i32_1 = arith.constant 0 : i32
    return %arg0, %c0_i32, %c0_i32_0 : i32, i32, i32
  }
}

</mosaic_0001>

<sc_bundles>
// kernel: kernel.4.cloned.1.call-start
scs
__scs_entry_jumppad:
0x0: {  	(pc) =	sbr.rel $0x88, $3  }
0x1: {  	(tag) =	ssettag $0x0;
	lr =	simm.s32 $0x1  }
0x2: {  	[smem:$0x3F9E] =	sst lr;
	_ =	strace $0xD0000000  }
0x3: {  	_ = 	snop  }
0x4: {  	_ = 	snop  }
0x5: {  	_ = 	snop  }
0x6: {  	_ = 	snop  }
0x7: {  	_ = 	snop  }
__scs_overlays_trampoline_lowered:
0x8: {  	[smem:$0x3FAD] =	sst s0  }
0x9: {  	[smem:$0x3FAE] =	sst s1  }
0xa: {  	[smem:$0x3FAF] =	sst s2  }
0xb: {  	[smem:$0x3FB0] =	sst s3  }
0xc: {  	[smem:$0x3FB1] =	sst s4  }
0xd: {  	[smem:$0x3FB2] =	sst s5  }
0xe: {  	[smem:$0x3FB3] =	sst s6  }
0xf: {  	[smem:$0x3FB4] =	sst s7  }
0x10: {  	[smem:$0x3FB5] =	sst s8  }
0x11: {  	[smem:$0x3FB6] =	sst s9;
	s0 =	simm.s32 @!p0 $0x0  }
0x12: {  	s1 =	sld [smem:$0x3F9C];
	s0 =	simm.s32 @p0 $0x1  }
0x13: {  	[smem:$0x3FB7] =	sst s0;
	s0 =	simm.s32 @!p1 $0x0  }
0x14: {  	s2 =	sld [smem:$0x3F9B];
	s0 =	simm.s32 @p1 $0x1  }
0x15: {  	[smem:$0x3FB8] =	sst s0;
	s0 =	simm.s32 @!p2 $0x0  }
0x16: {  	s3 =	sld [smem:$0x3FDB];
	s0 =	simm.s32 @p2 $0x1  }
0x17: {  	s4 =	simm.s32 $0x1BF5;
	[smem:$0x3FBA] =	sst s0  }
0x18: {  	s0 =	sld [smem:$0x3F9D];
	_ =	swait.ge [sflag:s4], $0x0  }
0x19: {  	s7 =	sld [smem:$0x3F9E]  }
0x1a: {  	s8 =	sadd.s32 $0xFFFFE003, lr  }
0x1b: {  	s9 =	sadd.s32 $0xFFFFFEF7, lr;
	s5 =	simm.s32 $0xFFFFFFFF;
	p2 =	slt.u32 s8, $0xFFFFF086  }
0x1c: {  	p1 =	slt.u32 s9, $0xF7A;
	s5 =	simm.s32 @!p2 $0x0  }
0x1d: {  	s5 =	simm.s32 @p1 $0x1;
	p0 =	seq.s32 s7, s2  }
0x1e: {  	s7 =	smul.u32 @!p0 $0xF7A, s2;
	p2 =	seq.s32 @!p0 s5, $0x0  }
0x1f: {  	s9 =	smul.u32 $0xF7A, s1;
	s8 =	simm.s32 @!p0 $0x1BF5;
	p2 =	por !p2, p0  }
0x20: {  	[sflag:s8] =	ssyncset.s32 @!p0 $0xFFFFF086;
	s6 =	sadd.s32 @!p0 s3, s7;
	s7 =	simm.s32 @!p0 $0x108  }
0x21: {  	s3 =	sadd.s32 s3, s9;
	s6 =	sadd.s32 @!p0 $0x88, s6;
	s7 =	simm.s32 @p2 $0x1082  }
0x22: {  	[simem:s7], [sflag:s8] =	dma.local @!p0 [hbm:s6], $0xF7A  }
0x23: {  	s9 =	sor.u32 $0xD0000000, s2;
	s6 =	simm.s32 $0x108;
	_ =	swait.ge @!p0 [sflag:s8], $0x0  }
0x24: {  	s3 =	sadd.s32 $0x88, s3;
	s6 =	simm.s32 @!p1 $0x1082;
	[sflag:s4] =	ssyncset.s32 $0xFFFFF086  }
0x25: {  	[simem:s6], [sflag:s4] =	dma.local [hbm:s3], $0xF7A  }
0x26: {  	[smem:$0x3F9E] =	sst s1;
	(tag) =	ssettag s2;
	_ =	strace s9  }
0x27: {  	s1 =	sld [smem:$0x3FAE]  }
0x28: {  	s2 =	sld [smem:$0x3FAF]  }
0x29: {  	s4 =	sld [smem:$0x3FB1]  }
0x2a: {  	p0 =	seq.s32 s5, $0x0;
	s5 =	sld [smem:$0x3FB2]  }
0x2b: {  	s6 =	sld [smem:$0x3FB3]  }
0x2c: {  	s7 =	sld [smem:$0x3FB4]  }
0x2d: {  	s3 =	simm.s32 $0x108;
	s8 =	sld [smem:$0x3FB5]  }
0x2e: {  	s3 =	simm.s32 @!p0 $0x1082;
	s9 =	sld [smem:$0x3FB6]  }
0x2f: {  	lr =	sadd.s32 s0, s3;
	s0 =	sld [smem:$0x3FAD]  }
0x30: {  	s3 =	sld [smem:$0x3FB0]  }
0x31: {  	[smem:$0x3FB9] =	sst s10  }
0x32: {  	s10 =	sld [smem:$0x3FB7];
	_ =	sdelay $0x3  }
0x33: {  	p0 =	seq.s32 s10, $0x1;
	s10 =	sld [smem:$0x3FB9];
	_ =	sdelay $0x3  }
0x34: {  	[smem:$0x3FB9] =	sst s10  }
0x35: {  	s10 =	sld [smem:$0x3FB8];
	_ =	sdelay $0x3  }
0x36: {  	p1 =	seq.s32 s10, $0x1;
	s10 =	sld [smem:$0x3FB9];
	_ =	sdelay $0x3  }
0x37: {  	[smem:$0x3FB9] =	sst s10  }
0x38: {  	s10 =	sld [smem:$0x3FBA]  }
0x39: {  	_ = 	snop;
	(pc) =	sbr.ind lr, $3  }
0x3a: {  	_ = 	snop  }
0x3b: {  	_ = 	snop  }
0x3c: {  	p2 =	seq.s32 s10, $0x1;
	s10 =	sld [smem:$0x3FB9]  }
0x3d: {  	_ =	shalt  }
0x3e: {  	_ =	shalt  }
0x3f: {  	_ =	shalt  }
0x40: {  	_ =	shalt  }
0x41: {  	_ =	shalt  }
0x42: {  	_ =	shalt  }
0x43: {  	_ =	shalt  }
0x44: {  	_ =	shalt  }
0x45: {  	_ =	shalt  }
0x46: {  	_ =	shalt  }
0x47: {  	_ =	shalt  }
0x48: {  	_ =	shalt  }
0x49: {  	_ =	shalt  }
0x4a: {  	_ =	shalt  }
0x4b: {  	_ =	shalt  }
0x4c: {  	_ =	shalt  }
0x4d: {  	_ =	shalt  }
0x4e: {  	_ =	shalt  }
0x4f: {  	_ =	shalt  }
0x50: {  	_ =	shalt  }
0x51: {  	_ =	shalt  }
0x52: {  	_ =	shalt  }
0x53: {  	_ =	shalt  }
0x54: {  	_ =	shalt  }
0x55: {  	_ =	shalt  }
0x56: {  	_ =	shalt  }
0x57: {  	_ =	shalt  }
0x58: {  	_ =	shalt  }
0x59: {  	_ =	shalt  }
0x5a: {  	_ =	shalt  }
0x5b: {  	_ =	shalt  }
0x5c: {  	_ =	shalt  }
0x5d: {  	_ =	shalt  }
0x5e: {  	_ =	shalt  }
0x5f: {  	_ =	shalt  }
0x60: {  	_ =	shalt  }
0x61: {  	_ =	shalt  }
0x62: {  	_ =	shalt  }
0x63: {  	_ =	shalt  }
0x64: {  	_ =	shalt  }
0x65: {  	_ =	shalt  }
0x66: {  	_ =	shalt  }
0x67: {  	_ =	shalt  }
0x68: {  	_ =	shalt  }
0x69: {  	_ =	shalt  }
0x6a: {  	_ =	shalt  }
0x6b: {  	_ =	shalt  }
0x6c: {  	_ =	shalt  }
0x6d: {  	_ =	shalt  }
0x6e: {  	_ =	shalt  }
0x6f: {  	_ =	shalt  }
0x70: {  	_ =	shalt  }
0x71: {  	_ =	shalt  }
0x72: {  	_ =	shalt  }
0x73: {  	_ =	shalt  }
0x74: {  	_ =	shalt  }
0x75: {  	_ =	shalt  }
0x76: {  	_ =	shalt  }
0x77: {  	_ =	shalt  }
0x78: {  	_ =	shalt  }
0x79: {  	_ =	shalt  }
0x7a: {  	_ =	shalt  }
0x7b: {  	_ =	shalt  }
0x7c: {  	_ =	shalt  }
0x7d: {  	_ =	shalt  }
0x7e: {  	_ =	shalt  }
0x7f: {  	_ =	shalt  }
0x80: {  	_ =	shalt  }
0x81: {  	_ =	shalt  }
0x82: {  	_ =	shalt  }
0x83: {  	_ =	shalt  }
0x84: {  	_ =	shalt  }
0x85: {  	_ =	shalt  }
0x86: {  	_ =	shalt  }
0x87: {  	_ =	shalt  }
.Lfunc_end0:
.L_simem_size_0:
called_computation_lowered:
.L_overlay_start_0:
0x88: {  	s2 =	sld [smem:$0x3FD9]  }
0x89: {  	s3 =	sld [smem:$0x3FFE];
	_ =	sdelay $0x1  }
0x8a: {  	s1 =	srdreg.scid  }
0x8b: {  	s0 =	sand.u32 $0x1, s1  }
0x8c: {  	s17 =	sshll.u32 s0, $0xA;
	s2 =	sadd.s32 s3, s2  }
0x8d: {  	s2 =	sadd.s32 s2, s17  }
0x8e: {  	[smem:$0x3FC5] =	sst s2  }
0x8f: {  	_ = 	snop  }
0x90: {  	s2 =	sld [smem:$0x3FD0];
	(tm) =	ssettm $0x1  }
0x91: {  	s18 =	sld [smem:$0x3FFB];
	_ =	sdelay $0x3  }
0x92: {  	_ =	strace s18  }
0x93: {  	s3 =	sld [smem:$0x3FFC];
	_ =	sdelay $0x3  }
0x94: {  	_ =	strace s3  }
0x95: {  	s3 =	sld [smem:$0x3FFD];
	_ =	sdelay $0x3  }
0x96: {  	_ =	strace s3  }
0x97: {  	_ =	strace $0x8FFFFFFF  }
0x98: {  	s19 =	sld [smem:$0x3FDB];
	_ =	sdelay $0x1  }
0x99: {  	s4 =	simm.s32 $_scs_section_size  }
0x9a: {  	s5 =	simm.s32 $_size__tile_overlayer_lowered;
	s6 =	simm.s32 $_tile_overlayer_lowered  }
0x9b: {  	s22 =	simm.s32 $0x1BFF;
	s21 =	sshll.u32 s6, $0x1;
	s3 =	sadd.s32 s4, s19  }
0x9c: {  	s7 =	simm.s32 $0x0;
	s20 =	sshll.u32 s5, $0x1;
	s5 =	sadd.s32 s21, s3  }
0x9d: {  	[timem:s7], [sflag:s22] =	dma.local [hbm:s5], s20  }
0x9e: {  	_ =	swait.ge [sflag:s22], s20  }
0x9f: {  	s4 =	ssub.s32 $0x0, s20;
	[sflag:s22] =	ssyncset.done $0x0  }
0xa0: {  	[sflag:s22] =	ssyncadd.s32 s4;
	_ =	sdelay $0x1  }
0xa1: {  	s23 =	simm.s32 $0x1B8B  }
0xa2: {  	_ =	swait.ge [sflag:s23], $0x1  }
0xa3: {  	[sflag:s23] =	ssyncset.done $0x0  }
0xa4: {  	s25 =	simm.s32 $0x1B8E;
	s24 =	sld [smem:$0x3FFE];
	[sflag:s23] =	ssyncadd.s32 $0xFFFFFFFF  }
0xa5: {  	s26 =	simm.s32 $execute0_lowered;
	[smem:$0x3FD2] =	sst s25  }
0xa6: {  	s5 =	sshll.u32 s26, $0x1;
	_ =	strace $0x80000046;
	[dreg:$0x1] =	wrdreg $0xFFFFFFFF  }
0xa7: {  	s28 =	simm.s32 $_size_execute0_lowered;
	s3 =	sadd.s32 s3, s5;
	[dreg:$0x0] =	wrdreg $0x0  }
0xa8: {  	s5 =	sshll.u32 s28, $0x1;
	[dreg:$0x2] =	wrdreg s3  }
0xa9: {  	[dreg:$0x3] =	wrdreg s5  }
0xaa: {  	[dreg:$0x4] =	wrdreg $0xC0  }
0xab: {  	_ =	task [dreg:s7], $0x5FFFF  }
0xac: {  	[dreg:$0x1] =	wrdreg $0xFFFFFFFF  }
0xad: {  	[dreg:$0x0] =	wrdreg $0x60  }
0xae: {  	[dreg:$0x2] =	wrdreg s24  }
0xaf: {  	[dreg:$0x3] =	wrdreg s2  }
0xb0: {  	[dreg:$0x4] =	wrdreg $0x9  }
0xb1: {  	_ =	task.clear_ibuf [dreg:s7], $0x5FFFF;
	_ =	strace $0x90000046  }
0xb2: {  	s29 =	simm.s32 $0x9;
	_ =	strace $0x80000048  }
0xb3: {  	_ =	swait.ge [sflag:s29], $0x1  }
0xb4: {  	[sflag:s29] =	ssyncadd.s32 $0xFFFFFFFF  }
0xb5: {  	_ =	strace $0x90000048  }
0xb6: {  	_ =	sfence  }
0xb7: {  	s30 =	sld [smem:$0x0];
	_ =	sdelay $0x2  }
0xb8: {  	s31 =	sshll.u32 s1, $0xD;
	s1 =	sshrl.u32 s1, $0x2  }
0xb9: {  	s3 =	sand.u32 $0x4000, s31;
	s1 =	sadd.s32 s1, s30  }
0xba: {  	s0 =	sor.u32 s3, s0;
	s1 =	sshll.u32 s1, $0x11  }
0xbb: {  	s0 =	sor.u32 s1, s0  }
0xbc: {  	s0 =	sadd.s32 $0x8F2B, s0  }
0xbd: {  	[sflag:s0] =	ssyncadd.remote.s32 $0x1  }
0xbe: {  	_ =	sfence.sel $0xFFFF  }
0xbf: {  	[dreg:$0x0] =	wrdreg $0xFFFFFFFF;
	(pc) =	sbr.abs _section_cstart, $3  }
0xc0: {  	[dreg:$0x1] =	wrdreg $0xFFFFFFFF  }
0xc1: {  	_ =	task.clear_ibuf [dreg:s7], $0x2FFFF;
	_ =	strace $0x9FFFFFFF  }
0xc2: {  	(tm) =	ssettm $0x7FFFFFFF  }
0xc3: {  	_ =	shalt  }
tec
execute0_lowered:
.L_overlay_start_1:
0x0: {  	(tag) =	ssettag $0x1  }
0x1: {  	s2 =	rddreg [dreg:$0x0]  }
0x2: {  	s6 =	rddreg [dreg:$0x1]  }
0x3: {  	s0 =	rddreg [dreg:$0x2];
	s1 =	simm.s32 $0x0;
	s3 =	srdreg.scid  }
0x4: {  	s11 =	simm.s32 $0x0;
	[smem:$0x7FF] =	sst s1;
	s5 =	sand.u32 $0x1, s3  }
0x5: {  	s3 =	sadd.s32 $0x400, s2;
	s2 =	stileid.u32;
	_ =	strace $0x80000047  }
0x6: {  	s7 =	ssub.s32 $0x2, s5;
	s4 =	sshll.u32 s2, $0xF;
	s9 =	sshll.u32 s5, $0x16  }
0x7: {  	s5 =	sshll.u32 s5, $0x3;
	s8 =	sshrl.u32 s7, $0x1;
	s31 =	sor.u32 s4, s9  }
0x8: {  	s10 =	sshll.u32 s2, $0xB;
	s7 =	ssub.s32 s7, s8;
	s8 =	sshrl.u32 s31, $0x3  }
0x9: {  	s9 =	sadd.s32 s9, s6;
	s6 =	sadd.s32 s3, s8;
	s7 =	smax.u32 s7, $0x1  }
0xa: {  	s8 =	sadd.s32 s10, s9;
	s9 =	simm.s32 $0x2;
	s10 =	simm.s32 $0x1  }
.LBB2_1:
0xb: {  	[tilespmem:s1], [sflag:$0x2] =	stream.linear.gather [hbm4b:s6+s1], $0x8000, $0x38;
	[tilespmem:$0x10000] =	vst v63  }
0xc: {  	_ =	swait.ge [sflag:s9], $0x8000  }
0xd: {  	[sflag:s9] =	ssyncset.done $0x0  }
0xe: {  	s12 =	simm.s32 $0x0;
	[sflag:s9] =	ssyncadd.s32 $0xFFFF8000  }
.LBB2_2:
0xf: {  	p0 =	seq.s32 s12, $0x0  }
0x10: {  	s13 =	simm.s32 @!p0 $0x1  }
0x11: {  	_ =	swait.ge @!p0 [sflag:s13], $0x4000  }
0x12: {  	[sflag:s13] =	ssyncset.done @!p0 $0x0  }
0x13: {  	[sflag:s13] =	ssyncadd.s32 @!p0 $0xFFFFC000  }
0x14: {  	_ =	swait.ge @!p0 [sflag:s13], $0x4000  }
0x15: {  	[sflag:s13] =	ssyncset.done @!p0 $0x0  }
0x16: {  	[sflag:s13] =	ssyncadd.s32 @!p0 $0xFFFFC000  }
0x17: {  	_ =	swait.ge @!p0 [sflag:s13], $0x4000  }
0x18: {  	[sflag:s13] =	ssyncset.done @!p0 $0x0  }
0x19: {  	[sflag:s13] =	ssyncadd.s32 @!p0 $0xFFFFC000  }
0x1a: {  	_ =	swait.ge @!p0 [sflag:s13], $0x4000  }
0x1b: {  	[sflag:s13] =	ssyncset.done @!p0 $0x0  }
0x1c: {  	[sflag:s13] =	ssyncadd.s32 @!p0 $0xFFFFC000  }
0x1d: {  	_ =	swait.ge @!p0 [sflag:s13], $0x4000  }
0x1e: {  	[sflag:s13] =	ssyncset.done @!p0 $0x0  }
0x1f: {  	[sflag:s13] =	ssyncadd.s32 @!p0 $0xFFFFC000  }
0x20: {  	_ =	swait.ge @!p0 [sflag:s13], $0x4000  }
0x21: {  	[sflag:s13] =	ssyncset.done @!p0 $0x0  }
0x22: {  	[sflag:s13] =	ssyncadd.s32 @!p0 $0xFFFFC000  }
0x23: {  	_ =	swait.ge @!p0 [sflag:s13], $0x4000  }
0x24: {  	[sflag:s13] =	ssyncset.done @!p0 $0x0  }
0x25: {  	[sflag:s13] =	ssyncadd.s32 @!p0 $0xFFFFC000  }
0x26: {  	_ =	swait.ge @!p0 [sflag:s13], $0x4000  }
0x27: {  	[sflag:s13] =	ssyncset.done @!p0 $0x0  }
0x28: {  	[sflag:s13] =	ssyncadd.s32 @!p0 $0xFFFFC000  }
0x29: {  	_ =	swait.ge @!p0 [sflag:s13], $0x4000  }
0x2a: {  	[sflag:s13] =	ssyncset.done @!p0 $0x0  }
0x2b: {  	[sflag:s13] =	ssyncadd.s32 @!p0 $0xFFFFC000  }
0x2c: {  	_ =	swait.ge @!p0 [sflag:s13], $0x4000  }
0x2d: {  	[sflag:s13] =	ssyncset.done @!p0 $0x0  }
0x2e: {  	[sflag:s13] =	ssyncadd.s32 @!p0 $0xFFFFC000  }
0x2f: {  	_ =	swait.ge @!p0 [sflag:s13], $0x4000  }
0x30: {  	[sflag:s13] =	ssyncset.done @!p0 $0x0  }
0x31: {  	[sflag:s13] =	ssyncadd.s32 @!p0 $0xFFFFC000  }
0x32: {  	_ =	swait.ge @!p0 [sflag:s13], $0x4000  }
0x33: {  	[sflag:s13] =	ssyncset.done @!p0 $0x0  }
0x34: {  	[sflag:s13] =	ssyncadd.s32 @!p0 $0xFFFFC000  }
0x35: {  	_ =	swait.ge @!p0 [sflag:s13], $0x4000  }
0x36: {  	[sflag:s13] =	ssyncset.done @!p0 $0x0  }
0x37: {  	[sflag:s13] =	ssyncadd.s32 @!p0 $0xFFFFC000  }
0x38: {  	_ =	swait.ge @!p0 [sflag:s13], $0x4000  }
0x39: {  	[sflag:s13] =	ssyncset.done @!p0 $0x0  }
0x3a: {  	p1 =	seq.s32 @!p0 s12, $0x7;
	[sflag:s13] =	ssyncadd.s32 @!p0 $0xFFFFC000  }
0x3b: {  	p1 =	por p0, !p1;
	_ =	swait.ge @!p0 [sflag:s13], $0x4000  }
.Ltmp0:
0x3c: {  	[sflag:s13] =	ssyncset.done @!p0 $0x0;
	(pc) =	sbr.rel @p1 .LBB2_4-.Ltmp0, $4  }
0x3d: {  	[sflag:s13] =	ssyncadd.s32 @!p0 $0xFFFFC000  }
0x3e: {  	_ =	swait.ge @!p0 [sflag:s13], $0x4000  }
0x3f: {  	[sflag:s13] =	ssyncset.done @!p0 $0x0  }
0x40: {  	[sflag:s13] =	ssyncadd.s32 @!p0 $0xFFFFC000  }
.Ltmp1:
0x41: {  	(pc) =	sbr.rel .LBB2_5-.Ltmp1, $2  }
0x42: {  	_ =	sdelay $0x2  }
0x43: {  	s13 =	simm.s32 @!p0 $0x8;
	p0 =	por @!p0 $0x1, $0x1  }
.LBB2_4:
0x44: {  	s13 =	sadd.s32 @!p0 $0x1, s12  }
0x45: {  	s13 =	simm.s32 @p0 $0x1  }
0x46: {  	s14 =	sadd.s32 s5, s13  }
0x47: {  	s14 =	sshll.u32 s14, $0x13  }
0x48: {  	s14 =	sor.u32 s4, s14  }
0x49: {  	s15 =	sshll.u32 s13, $0xF;
	s14 =	sshrl.u32 s14, $0x3  }
0x4a: {  	p0 =	por $0x0, $0x0;
	s15 =	sand.u32 $0x8000, s15;
	s14 =	sadd.s32 s3, s14  }
0x4b: {  	[tilespmem:s15], [sflag:$0x2] =	stream.linear.gather [hbm4b:s14+s1], $0x8000, $0x38;
	[tilespmem:$0x10000] =	vst v63  }
.LBB2_5:
0x4c: {  	s14 =	sand.u32 $0x1, s12  }
0x4d: {  	s31 =	sshll.u32 s12, $0x13;
	s14 =	sshll.u32 s14, $0xF  }
0x4e: {  	s12 =	sadd.s32 s31, s8;
	s15 =	sadd.s32 $0x3C00, s14  }
0x4f: {  	[hbm4b:s12+s1] =	stream.linear.scatter [tilespmem:s15], [sflag:$0x1], $0x4000, $0x38;
	[tilespmem:$0x10000] =	vst v63  }
0x50: {  	s15 =	simm.s32 $0xE000  }
.LBB2_6:
0x51: {  	p1 =	sne.s32 s15, $0x0  }
.Ltmp2:
0x52: {  	_ = 	snop;
	(pc) =	sbr.rel @p1 .LBB2_6-.Ltmp2, $4  }
0x53: {  	_ = 	snop  }
0x54: {  	s16 =	sshra.s32 s15, $0x2;
	s15 =	sadd.s32 $0xFFFFF000, s15  }
0x55: {  	s12 =	sadd.s32 $0x8000, s12;
	s16 =	sadd.s32 s16, s14  }
0x56: {  	[hbm4b:s12+s1] =	stream.linear.scatter [tilespmem:s16], [sflag:$0x1], $0x4000, $0x38;
	[tilespmem:$0x10000] =	vst v63  }
0x57: {  	p1 =	slt.u32 s13, $0x8  }
.Ltmp3:
0x58: {  	_ = 	snop;
	(pc) =	sbr.rel @p1 .LBB2_2-.Ltmp3, $4  }
0x59: {  	s12 =	simm.s32 @!p0 $0x2  }
0x5a: {  	_ =	swait.ge @!p0 [sflag:s12], $0x8000  }
0x5b: {  	[sflag:s12] =	ssyncset.done @!p0 $0x0  }
0x5c: {  	[sflag:s12] =	ssyncadd.s32 @!p0 $0xFFFF8000;
	s12 =	smov.u32 s13  }
0x5d: {  	_ =	swait.ge [sflag:s10], $0x4000  }
0x5e: {  	[sflag:s10] =	ssyncset.done $0x0  }
0x5f: {  	[sflag:s10] =	ssyncadd.s32 $0xFFFFC000  }
0x60: {  	_ =	swait.ge [sflag:s10], $0x4000  }
0x61: {  	[sflag:s10] =	ssyncset.done $0x0  }
0x62: {  	[sflag:s10] =	ssyncadd.s32 $0xFFFFC000  }
0x63: {  	_ =	swait.ge [sflag:s10], $0x4000  }
0x64: {  	[sflag:s10] =	ssyncset.done $0x0  }
0x65: {  	[sflag:s10] =	ssyncadd.s32 $0xFFFFC000  }
0x66: {  	_ =	swait.ge [sflag:s10], $0x4000  }
0x67: {  	[sflag:s10] =	ssyncset.done $0x0  }
0x68: {  	[sflag:s10] =	ssyncadd.s32 $0xFFFFC000  }
0x69: {  	_ =	swait.ge [sflag:s10], $0x4000  }
0x6a: {  	[sflag:s10] =	ssyncset.done $0x0  }
0x6b: {  	[sflag:s10] =	ssyncadd.s32 $0xFFFFC000  }
0x6c: {  	_ =	swait.ge [sflag:s10], $0x4000  }
0x6d: {  	[sflag:s10] =	ssyncset.done $0x0  }
0x6e: {  	[sflag:s10] =	ssyncadd.s32 $0xFFFFC000  }
0x6f: {  	_ =	swait.ge [sflag:s10], $0x4000  }
0x70: {  	[sflag:s10] =	ssyncset.done $0x0  }
0x71: {  	[sflag:s10] =	ssyncadd.s32 $0xFFFFC000  }
0x72: {  	_ =	swait.ge [sflag:s10], $0x4000  }
0x73: {  	[sflag:s10] =	ssyncset.done $0x0  }
0x74: {  	[sflag:s10] =	ssyncadd.s32 $0xFFFFC000  }
0x75: {  	_ =	swait.ge [sflag:s10], $0x4000  }
0x76: {  	[sflag:s10] =	ssyncset.done $0x0  }
0x77: {  	[sflag:s10] =	ssyncadd.s32 $0xFFFFC000  }
0x78: {  	_ =	swait.ge [sflag:s10], $0x4000  }
0x79: {  	[sflag:s10] =	ssyncset.done $0x0  }
0x7a: {  	[sflag:s10] =	ssyncadd.s32 $0xFFFFC000  }
0x7b: {  	_ =	swait.ge [sflag:s10], $0x4000  }
0x7c: {  	[sflag:s10] =	ssyncset.done $0x0  }
0x7d: {  	[sflag:s10] =	ssyncadd.s32 $0xFFFFC000  }
0x7e: {  	_ =	swait.ge [sflag:s10], $0x4000  }
0x7f: {  	[sflag:s10] =	ssyncset.done $0x0  }
0x80: {  	[sflag:s10] =	ssyncadd.s32 $0xFFFFC000  }
0x81: {  	_ =	swait.ge [sflag:s10], $0x4000  }
0x82: {  	[sflag:s10] =	ssyncset.done $0x0  }
0x83: {  	[sflag:s10] =	ssyncadd.s32 $0xFFFFC000  }
0x84: {  	_ =	swait.ge [sflag:s10], $0x4000  }
0x85: {  	[sflag:s10] =	ssyncset.done $0x0  }
0x86: {  	s11 =	sadd.s32 $0x1, s11;
	[sflag:s10] =	ssyncadd.s32 $0xFFFFC000  }
0x87: {  	p0 =	sne.s32 s11, s7;
	_ =	swait.ge [sflag:s10], $0x4000  }
.Ltmp4:
0x88: {  	[sflag:s10] =	ssyncset.done $0x0;
	(pc) =	sbr.rel @p0 .LBB2_1-.Ltmp4, $4  }
0x89: {  	[sflag:s10] =	ssyncadd.s32 $0xFFFFC000  }
0x8a: {  	_ =	swait.ge [sflag:s10], $0x4000  }
0x8b: {  	[sflag:s10] =	ssyncset.done $0x0  }
0x8c: {  	[sflag:s10] =	ssyncadd.s32 $0xFFFFC000  }
0x8d: {  	_ =	sfence.sel $0x180000  }
0x8e: {  	[bflag:$0x0] =	sbarrier.arrive $0xFFFF  }
0x8f: {  	p0 =	sne.s32 s2, $0x0;
	_ =	strace $0x90000047  }
0x90: {  	s0 =	sadd.s32 @!p0 $0x100000, s0;
	[bflag:$0x2] =	sbarrier.arrive $0xFFFF  }
0x91: {  	[sflag:s0] =	ssyncadd.tile.s32 @!p0 $0x1;
	_ =	shalt  }
.Lfunc_end2:
_tile_overlayer_lowered:
.L_overlay_start_2:
0x92: {  	(tag) =	ssettag $0x2  }
0x93: {  	s0 =	rddreg [dreg:$0x0];
	s2 =	stileid.u32  }
0x94: {  	s1 =	rddreg [dreg:$0x1];
	p0 =	sne.s32 s2, $0x0  }
0x95: {  	s3 =	rddreg [dreg:$0x2];
	[bflag:$0x3] =	sbarrier.arrive $0xFFFF;
	s2 =	simm.s32 @!p0 $0x1C03  }
0x96: {  	[timem:s3], [sflag:s2] =	dma.local @!p0 [hbm:s0], s1  }
0x97: {  	s0 =	simm.s32 @!p0 $0x3  }
0x98: {  	_ =	swait.ge @!p0 [sflag:s0], s1  }
0x99: {  	s1 =	ssub.s32 @!p0 $0x0, s1;
	[sflag:s0] =	ssyncset.done @!p0 $0x0  }
0x9a: {  	[sflag:s0] =	ssyncadd.s32 @!p0 s1  }
0x9b: {  	[bflag:$0x3] =	sbarrier.arrive $0xFFFF  }
0x9c: {  	_ =	shalt  }

</sc_bundles>
